<compile_context>
chip_gen: v7x
topology: tpu7x:2x2x1
jax: 0.10.2.dev20260603
libtpu: 0.0.44.dev20260713+nightly
codegen_flags: <defaults>
</compile_context>

<pallas_src>
import functools

import jax
import jax.numpy as jnp
from jax import lax
from jax.experimental import pallas as pl
from jax.experimental.pallas import tpu as pltpu
from jax.experimental.pallas import tpu_sc as plsc

BATCH = 4096
DIM = 10000
LANES = 16
NUM_WORKERS = 32
NSEG = DIM // LANES
G = 8
NGROUPS = DIM // G
MAXP = NGROUPS // NUM_WORKERS + 1
TSTEPS = (MAXP + 2 + 2) // 3


def _sc_permute(inp_t, sel):
    mesh = plsc.VectorSubcoreMesh(core_axis_name="c", subcore_axis_name="s")

    @functools.partial(
        pl.kernel,
        mesh=mesh,
        out_type=jax.ShapeDtypeStruct((DIM, BATCH), jnp.float32),
        scratch_types=[
            pltpu.VMEM((DIM,), jnp.int32),
            pltpu.VMEM((DIM,), jnp.int32),
            pltpu.VMEM((G, BATCH), jnp.float32),
            pltpu.VMEM((G, BATCH), jnp.float32),
            pltpu.VMEM((G, BATCH), jnp.float32),
            pltpu.SemaphoreType.DMA,
            pltpu.SemaphoreType.DMA,
            pltpu.SemaphoreType.DMA,
            pltpu.SemaphoreType.DMA,
            pltpu.SemaphoreType.DMA,
            pltpu.SemaphoreType.DMA,
        ],
        compiler_params=pltpu.CompilerParams(needs_layout_passes=False),
    )
    def k(in_hbm, sel_hbm, out_hbm, sel_v, c_v, b0, b1, b2,
          g0, g1, g2, w0, w1, w2):
        cid = lax.axis_index("c")
        sid = lax.axis_index("s")
        wid = sid * 2 + cid
        nvalid = jnp.where(wid < NGROUPS % NUM_WORKERS, MAXP, MAXP - 1)

        pltpu.sync_copy(sel_hbm, sel_v)

        @plsc.parallel_loop(0, NSEG, unroll=8)
        def _(j):
            off = pl.multiple_of(j * LANES, LANES)
            seg = sel_v[pl.ds(off, LANES)]
            c_v[pl.ds(off, LANES)] = plsc.load_gather(sel_v, [seg])

        def fire_gather(p, buf, gsem):
            grp = wid + NUM_WORKERS * p
            idx = c_v.at[pl.ds(pl.multiple_of(grp * G, G), G)]
            pltpu.async_copy(in_hbm.at[idx], buf, gsem)

        fire_gather(0, b0, g0)
        fire_gather(1, b1, g1)

        bufs = ((b0, g0, w0), (b1, g1, w1), (b2, g2, w2))

        def step(t, carry):
            for par in range(3):
                buf, gsem, wsem = bufs[par]
                obuf, ogsem, owsem = bufs[(par + 2) % 3]
                p = 3 * t + par
                grp = wid + NUM_WORKERS * p

                @pl.when((p + 2 < nvalid) & (p >= 1))
                def _():
                    pltpu.make_async_copy(obuf, out_hbm.at[pl.ds(0, G)],
                                          owsem).wait()

                @pl.when(p + 2 < nvalid)
                def _():
                    fire_gather(p + 2, obuf, ogsem)

                @pl.when(p < nvalid)
                def _():
                    pltpu.make_async_copy(in_hbm.at[pl.ds(0, G)], buf,
                                          gsem).wait()
                    pltpu.async_copy(
                        buf, out_hbm.at[pl.ds(pl.multiple_of(grp * G, G), G)],
                        wsem)

            return carry

        lax.fori_loop(0, TSTEPS, step, 0)

        pltpu.make_async_copy(b0, out_hbm.at[pl.ds(0, G)], w0).wait()
        pltpu.make_async_copy(b1, out_hbm.at[pl.ds(0, G)], w1).wait()
        pltpu.make_async_copy(b2, out_hbm.at[pl.ds(0, G)], w2).wait()

    return k(inp_t, sel)


def kernel(input, forward_indices, backward_indices, shifts):
    ident = jnp.arange(DIM, dtype=jnp.int32)
    sel = jnp.where(
        shifts > 0,
        forward_indices,
        jnp.where(shifts < 0, backward_indices, ident),
    )
    out_t = _sc_permute(jnp.transpose(input), sel)
    return jnp.transpose(out_t)

# --- scband reference (transcript-rebuilt; emitter-appended) ---
"""Pipeline reference for scband-create-random-permute-10204842296056 (READ-ONLY COPY).

The authoritative reference and input builder live on the scoring server;
editing this copy changes nothing except your own understanding.
"""

import jax, jax.numpy as jnp
import numpy as np


def setup_inputs(seed: int = 0) -> dict:
    key = jax.random.key(seed)
    k1, k2 = jax.random.split(key)
    dim = 10000
    batch = 4096
    inp = jax.random.normal(k1, (batch, dim), dtype=jnp.float32)
    # buffers created in __init__: a random permutation and its inverse
    forward_indices = jax.random.permutation(k2, dim).astype(jnp.int32)
    backward_indices = jnp.argsort(forward_indices).astype(jnp.int32)
    return {
        "input": inp,
        "forward_indices": forward_indices,
        "backward_indices": backward_indices,
        "shifts": 2,
    }


def reference(input, forward_indices, backward_indices, shifts=2):
    # Faithful translation of create_random_permute.__call__
    n_steps = 2
    y_fwd = input
    for _ in range(n_steps):
        y_fwd = y_fwd[..., forward_indices]
    y_bwd = input
    for _ in range(n_steps):
        y_bwd = y_bwd[..., backward_indices]
    y = jnp.where(shifts > 0, y_fwd, jnp.where(shifts < 0, y_bwd, input))
    # .clone() in torch -> identity copy in jax (functional semantics)
    return y

if __name__ == "__main__":
    import jax
    _d = setup_inputs()
    print(jax.jit(kernel)(*tuple(_d.values())))

</pallas_src>

<mosaic_0001>
#map = affine_map<(d0, d1) -> (0, 0)>
#map1 = affine_map<(d0, d1) -> (0)>
module attributes {stable_mosaic.version = 14 : i64} {
  func.func @k(%arg0: i32, %arg1: i32, %arg2: memref<10000x4096xf32, #tpu.memory_space<hbm>>, %arg3: memref<10000xi32, #tpu.memory_space<hbm>>, %arg4: memref<10000x4096xf32, #tpu.memory_space<hbm>>, %arg5: memref<10000xi32, #tpu.memory_space<vmem>>, %arg6: memref<10000xi32, #tpu.memory_space<vmem>>, %arg7: memref<8x4096xf32, #tpu.memory_space<vmem>>, %arg8: memref<8x4096xf32, #tpu.memory_space<vmem>>, %arg9: memref<8x4096xf32, #tpu.memory_space<vmem>>, %arg10: memref<!tpu.dma_semaphore, #tpu.memory_space<semaphore_mem>>, %arg11: memref<!tpu.dma_semaphore, #tpu.memory_space<semaphore_mem>>, %arg12: memref<!tpu.dma_semaphore, #tpu.memory_space<semaphore_mem>>, %arg13: memref<!tpu.dma_semaphore, #tpu.memory_space<semaphore_mem>>, %arg14: memref<!tpu.dma_semaphore, #tpu.memory_space<semaphore_mem>>, %arg15: memref<!tpu.dma_semaphore, #tpu.memory_space<semaphore_mem>>) attributes {dimension_semantics = [#tpu.dimension_semantics<core_parallel>, #tpu.dimension_semantics<subcore_parallel>], iteration_bounds = array<i64: 2, 16>, scalar_prefetch = 0 : i64, scratch_operands = 11 : i64, tpu.core_type = #tpu.core_type<sc_vector_subcore>, window_params = [{transform_indices = #map}, {transform_indices = #map1}, {transform_indices = #map}]} {
    %mul3A = arith.constant 2 : i32
    %mul3A_0 = arith.muli %arg1, %mul3A : i32
    %add3A = arith.addi %mul3A_0, %arg0 : i32
    %lt3A = arith.constant 2 : i32
    %lt3A_1 = arith.cmpi slt, %add3A, %lt3A : i32
    %jit3A = arith.constant 40 : i32
    %jit3A_2 = arith.constant 39 : i32
    %select_n3A = arith.select %lt3A_1, %jit3A, %jit3A_2 : i32
    "tpu.region"() ({
      %run_scoped3A = tpu.sem_alloc : memref<!tpu.dma_semaphore, #tpu.memory_space<semaphore_mem>>
      tpu.enqueue_dma source(%arg3 : memref<10000xi32, #tpu.memory_space<hbm>>) target(%arg5 : memref<10000xi32, #tpu.memory_space<vmem>>) target_semaphore(%run_scoped3A : memref<!tpu.dma_semaphore, #tpu.memory_space<semaphore_mem>>)
      tpu.wait_dma2 semaphore(%run_scoped3A : memref<!tpu.dma_semaphore, #tpu.memory_space<semaphore_mem>>) src(%arg3 : memref<10000xi32, #tpu.memory_space<hbm>>) dst(%arg5 : memref<10000xi32, #tpu.memory_space<vmem>>)
      tpu.yield
    }) : () -> ()
    %parallel_loop3A = arith.constant 0 : i32
    %parallel_loop3A_3 = arith.constant 625 : i32
    %parallel_loop3A_4 = arith.constant 1 : i32
    scf.for %parallel_loop3A_43 = %parallel_loop3A to %parallel_loop3A_3 step %parallel_loop3A_4  : i32 {
      %parallel_loop3A_44 = arith.constant 16 : i32
      %parallel_loop3A_45 = arith.muli %parallel_loop3A_43, %parallel_loop3A_44 : i32
      %parallel_loop3A_46 = tpu.assume_multiple %parallel_loop3A_45, 16 : i32
      %parallel_loop3A_47 = arith.index_cast %parallel_loop3A_46 : i32 to index
      %parallel_loop3A_48 = tpu.vector_load %arg5[%parallel_loop3A_47] {strides = array<i32>} : memref<10000xi32, #tpu.memory_space<vmem>>, vector<16xi32>,
      %parallel_loop3A_49 = tpu.vector_load_idx %arg5[%parallel_loop3A_48] : memref<10000xi32, #tpu.memory_space<vmem>>[vector<16xi32>], vector<16xi32>,
      %parallel_loop3A_50 = arith.index_cast %parallel_loop3A_46 : i32 to index
      %parallel_loop3A_51 = tpu.vector_load %arg6[%parallel_loop3A_50] {strides = array<i32>} : memref<10000xi32, #tpu.memory_space<vmem>>, vector<16xi32>,
      tpu.vector_store %arg6[%parallel_loop3A_50], %parallel_loop3A_49 {strides = array<i32>} : memref<10000xi32, #tpu.memory_space<vmem>>, vector<16xi32>,
    } {sc.loop_unroll_factor = 8 : i64, sc.parallel_access}
    %add3A_5 = arith.constant 0 : i32
    %add3A_6 = arith.addi %add3A, %add3A_5 : i32
    %mul3A_7 = arith.constant 8 : i32
    %mul3A_8 = arith.muli %add3A_6, %mul3A_7 : i32
    %multiple_of3A = tpu.assume_multiple %mul3A_8, 8 : i32
    %dma_start3A = tpu.memref_slice %arg6[%multiple_of3A] : memref<10000xi32, #tpu.memory_space<vmem>> -> memref<8xi32, #tpu.memory_space<vmem>>
    %dma_start3A_9 = arith.constant 0 : i32
    %dma_start3A_10 = arith.constant 0 : i32
    %dma_start3A_11 = tpu.memref_slice %arg2[%dma_start3A_9, %dma_start3A_10] : memref<10000x4096xf32, #tpu.memory_space<hbm>> -> memref<10000x4096xf32, #tpu.memory_space<hbm>>
    tpu.enqueue_indirect_dma source(%dma_start3A_11 : memref<10000x4096xf32, #tpu.memory_space<hbm>>) target(%arg7 : memref<8x4096xf32, #tpu.memory_space<vmem>>) offsets(%dma_start3A : memref<8xi32, #tpu.memory_space<vmem>>) semaphore(%arg10 : memref<!tpu.dma_semaphore, #tpu.memory_space<semaphore_mem>>)
    %add3A_12 = arith.constant 32 : i32
    %add3A_13 = arith.addi %add3A, %add3A_12 : i32
    %mul3A_14 = arith.constant 8 : i32
    %mul3A_15 = arith.muli %add3A_13, %mul3A_14 : i32
    %multiple_of3A_16 = tpu.assume_multiple %mul3A_15, 8 : i32
    %dma_start3A_17 = tpu.memref_slice %arg6[%multiple_of3A_16] : memref<10000xi32, #tpu.memory_space<vmem>> -> memref<8xi32, #tpu.memory_space<vmem>>
    %dma_start3A_18 = arith.constant 0 : i32
    %dma_start3A_19 = arith.constant 0 : i32
    %dma_start3A_20 = tpu.memref_slice %arg2[%dma_start3A_18, %dma_start3A_19] : memref<10000x4096xf32, #tpu.memory_space<hbm>> -> memref<10000x4096xf32, #tpu.memory_space<hbm>>
    tpu.enqueue_indirect_dma source(%dma_start3A_20 : memref<10000x4096xf32, #tpu.memory_space<hbm>>) target(%arg8 : memref<8x4096xf32, #tpu.memory_space<vmem>>) offsets(%dma_start3A_17 : memref<8xi32, #tpu.memory_space<vmem>>) semaphore(%arg11 : memref<!tpu.dma_semaphore, #tpu.memory_space<semaphore_mem>>)
    %scan3A = arith.constant 0 : i32
    %scan3A_21 = arith.constant 0 : i32
    %scan3A_22 = arith.constant 14 : i32
    %scan3A_23 = arith.addi %scan3A_21, %scan3A_22 : i32
    %scan3A_24 = arith.constant 1 : i32
    scf.for %scan3A_43 = %scan3A_21 to %scan3A_23 step %scan3A_24  : i32 {
      %mul3A_44 = arith.constant 3 : i32
      %mul3A_45 = arith.muli %mul3A_44, %scan3A_43 : i32
      %add3A_46 = arith.constant 0 : i32
      %add3A_47 = arith.addi %mul3A_45, %add3A_46 : i32
      %mul3A_48 = arith.constant 32 : i32
      %mul3A_49 = arith.muli %mul3A_48, %add3A_47 : i32
      %add3A_50 = arith.addi %add3A, %mul3A_49 : i32
      %add3A_51 = arith.constant 2 : i32
      %add3A_52 = arith.addi %add3A_47, %add3A_51 : i32
      %lt3A_53 = arith.cmpi slt, %add3A_52, %select_n3A : i32
      %ge3A = arith.constant 1 : i32
      %ge3A_54 = arith.cmpi sge, %add3A_47, %ge3A : i32
      %and3A = arith.andi %lt3A_53, %ge3A_54 : i1
      %convert_element_type3A = arith.extui %and3A : i1 to i32
      %cond3A = arith.constant 0 : i32
      %cond3A_55 = arith.cmpi ne, %convert_element_type3A, %cond3A : i32
      scf.if %cond3A_55 {
        %dma_wait3A_118 = arith.constant 0 : i32
        %dma_wait3A_119 = arith.constant 0 : i32
        %dma_wait3A_120 = tpu.memref_slice %arg4[%dma_wait3A_118, %dma_wait3A_119] : memref<10000x4096xf32, #tpu.memory_space<hbm>> -> memref<8x4096xf32, #tpu.memory_space<hbm>>
        %dma_wait3A_121 = arith.constant 0 : i32
        %dma_wait3A_122 = arith.constant 0 : i32
        %dma_wait3A_123 = tpu.memref_slice %arg4[%dma_wait3A_121, %dma_wait3A_122] : memref<10000x4096xf32, #tpu.memory_space<hbm>> -> memref<8x4096xf32, #tpu.memory_space<hbm>>
        tpu.wait_dma2 semaphore(%arg15 : memref<!tpu.dma_semaphore, #tpu.memory_space<semaphore_mem>>) src(%arg9 : memref<8x4096xf32, #tpu.memory_space<vmem>>) dst(%dma_wait3A_123 : memref<8x4096xf32, #tpu.memory_space<hbm>>)
      } else {
      }
      %add3A_56 = arith.constant 2 : i32
      %add3A_57 = arith.addi %add3A_47, %add3A_56 : i32
      %lt3A_58 = arith.cmpi slt, %add3A_57, %select_n3A : i32
      %convert_element_type3A_59 = arith.extui %lt3A_58 : i1 to i32
      %cond3A_60 = arith.constant 0 : i32
      %cond3A_61 = arith.cmpi ne, %convert_element_type3A_59, %cond3A_60 : i32
      scf.if %cond3A_61 {
        %add3A_118 = arith.constant 2 : i32
        %add3A_119 = arith.addi %add3A_47, %add3A_118 : i32
        %mul3A_120 = arith.constant 32 : i32
        %mul3A_121 = arith.muli %mul3A_120, %add3A_119 : i32
        %add3A_122 = arith.addi %add3A, %mul3A_121 : i32
        %mul3A_123 = arith.constant 8 : i32
        %mul3A_124 = arith.muli %add3A_122, %mul3A_123 : i32
        %multiple_of3A_125 = tpu.assume_multiple %mul3A_124, 8 : i32
        %dma_start3A_126 = tpu.memref_slice %arg6[%multiple_of3A_125] : memref<10000xi32, #tpu.memory_space<vmem>> -> memref<8xi32, #tpu.memory_space<vmem>>
        %dma_start3A_127 = arith.constant 0 : i32
        %dma_start3A_128 = arith.constant 0 : i32
        %dma_start3A_129 = tpu.memref_slice %arg2[%dma_start3A_127, %dma_start3A_128] : memref<10000x4096xf32, #tpu.memory_space<hbm>> -> memref<10000x4096xf32, #tpu.memory_space<hbm>>
        tpu.enqueue_indirect_dma source(%dma_start3A_129 : memref<10000x4096xf32, #tpu.memory_space<hbm>>) target(%arg9 : memref<8x4096xf32, #tpu.memory_space<vmem>>) offsets(%dma_start3A_126 : memref<8xi32, #tpu.memory_space<vmem>>) semaphore(%arg12 : memref<!tpu.dma_semaphore, #tpu.memory_space<semaphore_mem>>)
      } else {
      }
      %lt3A_62 = arith.cmpi slt, %add3A_47, %select_n3A : i32
      %convert_element_type3A_63 = arith.extui %lt3A_62 : i1 to i32
      %cond3A_64 = arith.constant 0 : i32
      %cond3A_65 = arith.cmpi ne, %convert_element_type3A_63, %cond3A_64 : i32
      scf.if %cond3A_65 {
        %dma_wait3A_118 = arith.constant 0 : i32
        %dma_wait3A_119 = arith.constant 0 : i32
        %dma_wait3A_120 = tpu.memref_slice %arg2[%dma_wait3A_118, %dma_wait3A_119] : memref<10000x4096xf32, #tpu.memory_space<hbm>> -> memref<8x4096xf32, #tpu.memory_space<hbm>>
        %dma_wait3A_121 = arith.constant 0 : i32
        %dma_wait3A_122 = arith.constant 0 : i32
        %dma_wait3A_123 = tpu.memref_slice %arg2[%dma_wait3A_121, %dma_wait3A_122] : memref<10000x4096xf32, #tpu.memory_space<hbm>> -> memref<8x4096xf32, #tpu.memory_space<hbm>>
        tpu.wait_dma2 semaphore(%arg10 : memref<!tpu.dma_semaphore, #tpu.memory_space<semaphore_mem>>) src(%dma_wait3A_123 : memref<8x4096xf32, #tpu.memory_space<hbm>>) dst(%arg7 : memref<8x4096xf32, #tpu.memory_space<vmem>>)
        %mul3A_124 = arith.constant 8 : i32
        %mul3A_125 = arith.muli %add3A_50, %mul3A_124 : i32
        %multiple_of3A_126 = tpu.assume_multiple %mul3A_125, 8 : i32
        %dma_start3A_127 = arith.constant 0 : i32
        %dma_start3A_128 = tpu.memref_slice %arg4[%multiple_of3A_126, %dma_start3A_127] : memref<10000x4096xf32, #tpu.memory_space<hbm>> -> memref<8x4096xf32, #tpu.memory_space<hbm>>
        %dma_start3A_129 = arith.constant 0 : i32
        %dma_start3A_130 = tpu.memref_slice %arg4[%multiple_of3A_126, %dma_start3A_129] : memref<10000x4096xf32, #tpu.memory_space<hbm>> -> memref<8x4096xf32, #tpu.memory_space<hbm>>
        tpu.enqueue_dma source(%arg7 : memref<8x4096xf32, #tpu.memory_space<vmem>>) target(%dma_start3A_130 : memref<8x4096xf32, #tpu.memory_space<hbm>>) target_semaphore(%arg13 : memref<!tpu.dma_semaphore, #tpu.memory_space<semaphore_mem>>)
      } else {
      }
      %mul3A_66 = arith.constant 3 : i32
      %mul3A_67 = arith.muli %mul3A_66, %scan3A_43 : i32
      %add3A_68 = arith.constant 1 : i32
      %add3A_69 = arith.addi %mul3A_67, %add3A_68 : i32
      %mul3A_70 = arith.constant 32 : i32
      %mul3A_71 = arith.muli %mul3A_70, %add3A_69 : i32
      %add3A_72 = arith.addi %add3A, %mul3A_71 : i32
      %add3A_73 = arith.constant 2 : i32
      %add3A_74 = arith.addi %add3A_69, %add3A_73 : i32
      %lt3A_75 = arith.cmpi slt, %add3A_74, %select_n3A : i32
      %ge3A_76 = arith.constant 1 : i32
      %ge3A_77 = arith.cmpi sge, %add3A_69, %ge3A_76 : i32
      %and3A_78 = arith.andi %lt3A_75, %ge3A_77 : i1
      %convert_element_type3A_79 = arith.extui %and3A_78 : i1 to i32
      %cond3A_80 = arith.constant 0 : i32
      %cond3A_81 = arith.cmpi ne, %convert_element_type3A_79, %cond3A_80 : i32
      scf.if %cond3A_81 {
        %dma_wait3A_118 = arith.constant 0 : i32
        %dma_wait3A_119 = arith.constant 0 : i32
        %dma_wait3A_120 = tpu.memref_slice %arg4[%dma_wait3A_118, %dma_wait3A_119] : memref<10000x4096xf32, #tpu.memory_space<hbm>> -> memref<8x4096xf32, #tpu.memory_space<hbm>>
        %dma_wait3A_121 = arith.constant 0 : i32
        %dma_wait3A_122 = arith.constant 0 : i32
        %dma_wait3A_123 = tpu.memref_slice %arg4[%dma_wait3A_121, %dma_wait3A_122] : memref<10000x4096xf32, #tpu.memory_space<hbm>> -> memref<8x4096xf32, #tpu.memory_space<hbm>>
        tpu.wait_dma2 semaphore(%arg13 : memref<!tpu.dma_semaphore, #tpu.memory_space<semaphore_mem>>) src(%arg7 : memref<8x4096xf32, #tpu.memory_space<vmem>>) dst(%dma_wait3A_123 : memref<8x4096xf32, #tpu.memory_space<hbm>>)
      } else {
      }
      %add3A_82 = arith.constant 2 : i32
      %add3A_83 = arith.addi %add3A_69, %add3A_82 : i32
      %lt3A_84 = arith.cmpi slt, %add3A_83, %select_n3A : i32
      %convert_element_type3A_85 = arith.extui %lt3A_84 : i1 to i32
      %cond3A_86 = arith.constant 0 : i32
      %cond3A_87 = arith.cmpi ne, %convert_element_type3A_85, %cond3A_86 : i32
      scf.if %cond3A_87 {
        %add3A_118 = arith.constant 2 : i32
        %add3A_119 = arith.addi %add3A_69, %add3A_118 : i32
        %mul3A_120 = arith.constant 32 : i32
        %mul3A_121 = arith.muli %mul3A_120, %add3A_119 : i32
        %add3A_122 = arith.addi %add3A, %mul3A_121 : i32
        %mul3A_123 = arith.constant 8 : i32
        %mul3A_124 = arith.muli %add3A_122, %mul3A_123 : i32
        %multiple_of3A_125 = tpu.assume_multiple %mul3A_124, 8 : i32
        %dma_start3A_126 = tpu.memref_slice %arg6[%multiple_of3A_125] : memref<10000xi32, #tpu.memory_space<vmem>> -> memref<8xi32, #tpu.memory_space<vmem>>
        %dma_start3A_127 = arith.constant 0 : i32
        %dma_start3A_128 = arith.constant 0 : i32
        %dma_start3A_129 = tpu.memref_slice %arg2[%dma_start3A_127, %dma_start3A_128] : memref<10000x4096xf32, #tpu.memory_space<hbm>> -> memref<10000x4096xf32, #tpu.memory_space<hbm>>
        tpu.enqueue_indirect_dma source(%dma_start3A_129 : memref<10000x4096xf32, #tpu.memory_space<hbm>>) target(%arg7 : memref<8x4096xf32, #tpu.memory_space<vmem>>) offsets(%dma_start3A_126 : memref<8xi32, #tpu.memory_space<vmem>>) semaphore(%arg10 : memref<!tpu.dma_semaphore, #tpu.memory_space<semaphore_mem>>)
      } else {
      }
      %lt3A_88 = arith.cmpi slt, %add3A_69, %select_n3A : i32
      %convert_element_type3A_89 = arith.extui %lt3A_88 : i1 to i32
      %cond3A_90 = arith.constant 0 : i32
      %cond3A_91 = arith.cmpi ne, %convert_element_type3A_89, %cond3A_90 : i32
      scf.if %cond3A_91 {
        %dma_wait3A_118 = arith.constant 0 : i32
        %dma_wait3A_119 = arith.constant 0 : i32
        %dma_wait3A_120 = tpu.memref_slice %arg2[%dma_wait3A_118, %dma_wait3A_119] : memref<10000x4096xf32, #tpu.memory_space<hbm>> -> memref<8x4096xf32, #tpu.memory_space<hbm>>
        %dma_wait3A_121 = arith.constant 0 : i32
        %dma_wait3A_122 = arith.constant 0 : i32
        %dma_wait3A_123 = tpu.memref_slice %arg2[%dma_wait3A_121, %dma_wait3A_122] : memref<10000x4096xf32, #tpu.memory_space<hbm>> -> memref<8x4096xf32, #tpu.memory_space<hbm>>
        tpu.wait_dma2 semaphore(%arg11 : memref<!tpu.dma_semaphore, #tpu.memory_space<semaphore_mem>>) src(%dma_wait3A_123 : memref<8x4096xf32, #tpu.memory_space<hbm>>) dst(%arg8 : memref<8x4096xf32, #tpu.memory_space<vmem>>)
        %mul3A_124 = arith.constant 8 : i32
        %mul3A_125 = arith.muli %add3A_72, %mul3A_124 : i32
        %multiple_of3A_126 = tpu.assume_multiple %mul3A_125, 8 : i32
        %dma_start3A_127 = arith.constant 0 : i32
        %dma_start3A_128 = tpu.memref_slice %arg4[%multiple_of3A_126, %dma_start3A_127] : memref<10000x4096xf32, #tpu.memory_space<hbm>> -> memref<8x4096xf32, #tpu.memory_space<hbm>>
        %dma_start3A_129 = arith.constant 0 : i32
        %dma_start3A_130 = tpu.memref_slice %arg4[%multiple_of3A_126, %dma_start3A_129] : memref<10000x4096xf32, #tpu.memory_space<hbm>> -> memref<8x4096xf32, #tpu.memory_space<hbm>>
        tpu.enqueue_dma source(%arg8 : memref<8x4096xf32, #tpu.memory_space<vmem>>) target(%dma_start3A_130 : memref<8x4096xf32, #tpu.memory_space<hbm>>) target_semaphore(%arg14 : memref<!tpu.dma_semaphore, #tpu.memory_space<semaphore_mem>>)
      } else {
      }
      %mul3A_92 = arith.constant 3 : i32
      %mul3A_93 = arith.muli %mul3A_92, %scan3A_43 : i32
      %add3A_94 = arith.constant 2 : i32
      %add3A_95 = arith.addi %mul3A_93, %add3A_94 : i32
      %mul3A_96 = arith.constant 32 : i32
      %mul3A_97 = arith.muli %mul3A_96, %add3A_95 : i32
      %add3A_98 = arith.addi %add3A, %mul3A_97 : i32
      %add3A_99 = arith.constant 2 : i32
      %add3A_100 = arith.addi %add3A_95, %add3A_99 : i32
      %lt3A_101 = arith.cmpi slt, %add3A_100, %select_n3A : i32
      %ge3A_102 = arith.constant 1 : i32
      %ge3A_103 = arith.cmpi sge, %add3A_95, %ge3A_102 : i32
      %and3A_104 = arith.andi %lt3A_101, %ge3A_103 : i1
      %convert_element_type3A_105 = arith.extui %and3A_104 : i1 to i32
      %cond3A_106 = arith.constant 0 : i32
      %cond3A_107 = arith.cmpi ne, %convert_element_type3A_105, %cond3A_106 : i32
      scf.if %cond3A_107 {
        %dma_wait3A_118 = arith.constant 0 : i32
        %dma_wait3A_119 = arith.constant 0 : i32
        %dma_wait3A_120 = tpu.memref_slice %arg4[%dma_wait3A_118, %dma_wait3A_119] : memref<10000x4096xf32, #tpu.memory_space<hbm>> -> memref<8x4096xf32, #tpu.memory_space<hbm>>
        %dma_wait3A_121 = arith.constant 0 : i32
        %dma_wait3A_122 = arith.constant 0 : i32
        %dma_wait3A_123 = tpu.memref_slice %arg4[%dma_wait3A_121, %dma_wait3A_122] : memref<10000x4096xf32, #tpu.memory_space<hbm>> -> memref<8x4096xf32, #tpu.memory_space<hbm>>
        tpu.wait_dma2 semaphore(%arg14 : memref<!tpu.dma_semaphore, #tpu.memory_space<semaphore_mem>>) src(%arg8 : memref<8x4096xf32, #tpu.memory_space<vmem>>) dst(%dma_wait3A_123 : memref<8x4096xf32, #tpu.memory_space<hbm>>)
      } else {
      }
      %add3A_108 = arith.constant 2 : i32
      %add3A_109 = arith.addi %add3A_95, %add3A_108 : i32
      %lt3A_110 = arith.cmpi slt, %add3A_109, %select_n3A : i32
      %convert_element_type3A_111 = arith.extui %lt3A_110 : i1 to i32
      %cond3A_112 = arith.constant 0 : i32
      %cond3A_113 = arith.cmpi ne, %convert_element_type3A_111, %cond3A_112 : i32
      scf.if %cond3A_113 {
        %add3A_118 = arith.constant 2 : i32
        %add3A_119 = arith.addi %add3A_95, %add3A_118 : i32
        %mul3A_120 = arith.constant 32 : i32
        %mul3A_121 = arith.muli %mul3A_120, %add3A_119 : i32
        %add3A_122 = arith.addi %add3A, %mul3A_121 : i32
        %mul3A_123 = arith.constant 8 : i32
        %mul3A_124 = arith.muli %add3A_122, %mul3A_123 : i32
        %multiple_of3A_125 = tpu.assume_multiple %mul3A_124, 8 : i32
        %dma_start3A_126 = tpu.memref_slice %arg6[%multiple_of3A_125] : memref<10000xi32, #tpu.memory_space<vmem>> -> memref<8xi32, #tpu.memory_space<vmem>>
        %dma_start3A_127 = arith.constant 0 : i32
        %dma_start3A_128 = arith.constant 0 : i32
        %dma_start3A_129 = tpu.memref_slice %arg2[%dma_start3A_127, %dma_start3A_128] : memref<10000x4096xf32, #tpu.memory_space<hbm>> -> memref<10000x4096xf32, #tpu.memory_space<hbm>>
        tpu.enqueue_indirect_dma source(%dma_start3A_129 : memref<10000x4096xf32, #tpu.memory_space<hbm>>) target(%arg8 : memref<8x4096xf32, #tpu.memory_space<vmem>>) offsets(%dma_start3A_126 : memref<8xi32, #tpu.memory_space<vmem>>) semaphore(%arg11 : memref<!tpu.dma_semaphore, #tpu.memory_space<semaphore_mem>>)
      } else {
      }
      %lt3A_114 = arith.cmpi slt, %add3A_95, %select_n3A : i32
      %convert_element_type3A_115 = arith.extui %lt3A_114 : i1 to i32
      %cond3A_116 = arith.constant 0 : i32
      %cond3A_117 = arith.cmpi ne, %convert_element_type3A_115, %cond3A_116 : i32
      scf.if %cond3A_117 {
        %dma_wait3A_118 = arith.constant 0 : i32
        %dma_wait3A_119 = arith.constant 0 : i32
        %dma_wait3A_120 = tpu.memref_slice %arg2[%dma_wait3A_118, %dma_wait3A_119] : memref<10000x4096xf32, #tpu.memory_space<hbm>> -> memref<8x4096xf32, #tpu.memory_space<hbm>>
        %dma_wait3A_121 = arith.constant 0 : i32
        %dma_wait3A_122 = arith.constant 0 : i32
        %dma_wait3A_123 = tpu.memref_slice %arg2[%dma_wait3A_121, %dma_wait3A_122] : memref<10000x4096xf32, #tpu.memory_space<hbm>> -> memref<8x4096xf32, #tpu.memory_space<hbm>>
        tpu.wait_dma2 semaphore(%arg12 : memref<!tpu.dma_semaphore, #tpu.memory_space<semaphore_mem>>) src(%dma_wait3A_123 : memref<8x4096xf32, #tpu.memory_space<hbm>>) dst(%arg9 : memref<8x4096xf32, #tpu.memory_space<vmem>>)
        %mul3A_124 = arith.constant 8 : i32
        %mul3A_125 = arith.muli %add3A_98, %mul3A_124 : i32
        %multiple_of3A_126 = tpu.assume_multiple %mul3A_125, 8 : i32
        %dma_start3A_127 = arith.constant 0 : i32
        %dma_start3A_128 = tpu.memref_slice %arg4[%multiple_of3A_126, %dma_start3A_127] : memref<10000x4096xf32, #tpu.memory_space<hbm>> -> memref<8x4096xf32, #tpu.memory_space<hbm>>
        %dma_start3A_129 = arith.constant 0 : i32
        %dma_start3A_130 = tpu.memref_slice %arg4[%multiple_of3A_126, %dma_start3A_129] : memref<10000x4096xf32, #tpu.memory_space<hbm>> -> memref<8x4096xf32, #tpu.memory_space<hbm>>
        tpu.enqueue_dma source(%arg9 : memref<8x4096xf32, #tpu.memory_space<vmem>>) target(%dma_start3A_130 : memref<8x4096xf32, #tpu.memory_space<hbm>>) target_semaphore(%arg15 : memref<!tpu.dma_semaphore, #tpu.memory_space<semaphore_mem>>)
      } else {
      }
    }
    %scan3A_25 = arith.constant 14 : i32
    %dma_wait3A = arith.constant 0 : i32
    %dma_wait3A_26 = arith.constant 0 : i32
    %dma_wait3A_27 = tpu.memref_slice %arg4[%dma_wait3A, %dma_wait3A_26] : memref<10000x4096xf32, #tpu.memory_space<hbm>> -> memref<8x4096xf32, #tpu.memory_space<hbm>>
    %dma_wait3A_28 = arith.constant 0 : i32
    %dma_wait3A_29 = arith.constant 0 : i32
    %dma_wait3A_30 = tpu.memref_slice %arg4[%dma_wait3A_28, %dma_wait3A_29] : memref<10000x4096xf32, #tpu.memory_space<hbm>> -> memref<8x4096xf32, #tpu.memory_space<hbm>>
    tpu.wait_dma2 semaphore(%arg13 : memref<!tpu.dma_semaphore, #tpu.memory_space<semaphore_mem>>) src(%arg7 : memref<8x4096xf32, #tpu.memory_space<vmem>>) dst(%dma_wait3A_30 : memref<8x4096xf32, #tpu.memory_space<hbm>>)
    %dma_wait3A_31 = arith.constant 0 : i32
    %dma_wait3A_32 = arith.constant 0 : i32
    %dma_wait3A_33 = tpu.memref_slice %arg4[%dma_wait3A_31, %dma_wait3A_32] : memref<10000x4096xf32, #tpu.memory_space<hbm>> -> memref<8x4096xf32, #tpu.memory_space<hbm>>
    %dma_wait3A_34 = arith.constant 0 : i32
    %dma_wait3A_35 = arith.constant 0 : i32
    %dma_wait3A_36 = tpu.memref_slice %arg4[%dma_wait3A_34, %dma_wait3A_35] : memref<10000x4096xf32, #tpu.memory_space<hbm>> -> memref<8x4096xf32, #tpu.memory_space<hbm>>
    tpu.wait_dma2 semaphore(%arg14 : memref<!tpu.dma_semaphore, #tpu.memory_space<semaphore_mem>>) src(%arg8 : memref<8x4096xf32, #tpu.memory_space<vmem>>) dst(%dma_wait3A_36 : memref<8x4096xf32, #tpu.memory_space<hbm>>)
    %dma_wait3A_37 = arith.constant 0 : i32
    %dma_wait3A_38 = arith.constant 0 : i32
    %dma_wait3A_39 = tpu.memref_slice %arg4[%dma_wait3A_37, %dma_wait3A_38] : memref<10000x4096xf32, #tpu.memory_space<hbm>> -> memref<8x4096xf32, #tpu.memory_space<hbm>>
    %dma_wait3A_40 = arith.constant 0 : i32
    %dma_wait3A_41 = arith.constant 0 : i32
    %dma_wait3A_42 = tpu.memref_slice %arg4[%dma_wait3A_40, %dma_wait3A_41] : memref<10000x4096xf32, #tpu.memory_space<hbm>> -> memref<8x4096xf32, #tpu.memory_space<hbm>>
    tpu.wait_dma2 semaphore(%arg15 : memref<!tpu.dma_semaphore, #tpu.memory_space<semaphore_mem>>) src(%arg9 : memref<8x4096xf32, #tpu.memory_space<vmem>>) dst(%dma_wait3A_42 : memref<8x4096xf32, #tpu.memory_space<hbm>>)
    return
  }
}

</mosaic_0001>

<sc_bundles>
// kernel: kernel.3.cloned.1.call-start
scs
__scs_entry_jumppad:
0x0: {  	(pc) =	sbr.rel $0x88, $3  }
0x1: {  	(tag) =	ssettag $0x0;
	lr =	simm.s32 $0x1  }
0x2: {  	[smem:$0x3F9D] =	sst lr;
	_ =	strace $0xD0000000  }
0x3: {  	_ = 	snop  }
0x4: {  	_ = 	snop  }
0x5: {  	_ = 	snop  }
0x6: {  	_ = 	snop  }
0x7: {  	_ = 	snop  }
__scs_overlays_trampoline_lowered:
0x8: {  	[smem:$0x3FAC] =	sst s0  }
0x9: {  	[smem:$0x3FAD] =	sst s1  }
0xa: {  	[smem:$0x3FAE] =	sst s2  }
0xb: {  	[smem:$0x3FAF] =	sst s3  }
0xc: {  	[smem:$0x3FB0] =	sst s4  }
0xd: {  	[smem:$0x3FB1] =	sst s5  }
0xe: {  	[smem:$0x3FB2] =	sst s6  }
0xf: {  	[smem:$0x3FB3] =	sst s7  }
0x10: {  	[smem:$0x3FB4] =	sst s8  }
0x11: {  	[smem:$0x3FB5] =	sst s9;
	s0 =	simm.s32 @!p0 $0x0  }
0x12: {  	s1 =	sld [smem:$0x3F9B];
	s0 =	simm.s32 @p0 $0x1  }
0x13: {  	[smem:$0x3FB6] =	sst s0;
	s0 =	simm.s32 @!p1 $0x0  }
0x14: {  	s2 =	sld [smem:$0x3F9A];
	s0 =	simm.s32 @p1 $0x1  }
0x15: {  	[smem:$0x3FB7] =	sst s0;
	s0 =	simm.s32 @!p2 $0x0  }
0x16: {  	s3 =	sld [smem:$0x3FDB];
	s0 =	simm.s32 @p2 $0x1  }
0x17: {  	s4 =	simm.s32 $0x1BF5;
	[smem:$0x3FB9] =	sst s0  }
0x18: {  	s0 =	sld [smem:$0x3F9C];
	_ =	swait.ge [sflag:s4], $0x0  }
0x19: {  	s7 =	sld [smem:$0x3F9D]  }
0x1a: {  	s8 =	sadd.s32 $0xFFFFE003, lr  }
0x1b: {  	s9 =	sadd.s32 $0xFFFFFEF7, lr;
	s5 =	simm.s32 $0xFFFFFFFF;
	p2 =	slt.u32 s8, $0xFFFFF086  }
0x1c: {  	p1 =	slt.u32 s9, $0xF7A;
	s5 =	simm.s32 @!p2 $0x0  }
0x1d: {  	s5 =	simm.s32 @p1 $0x1;
	p0 =	seq.s32 s7, s2  }
0x1e: {  	s7 =	smul.u32 @!p0 $0xF7A, s2;
	p2 =	seq.s32 @!p0 s5, $0x0  }
0x1f: {  	s9 =	smul.u32 $0xF7A, s1;
	s8 =	simm.s32 @!p0 $0x1BF5;
	p2 =	por !p2, p0  }
0x20: {  	[sflag:s8] =	ssyncset.s32 @!p0 $0xFFFFF086;
	s6 =	sadd.s32 @!p0 s3, s7;
	s7 =	simm.s32 @!p0 $0x108  }
0x21: {  	s3 =	sadd.s32 s3, s9;
	s6 =	sadd.s32 @!p0 $0x88, s6;
	s7 =	simm.s32 @p2 $0x1082  }
0x22: {  	[simem:s7], [sflag:s8] =	dma.local @!p0 [hbm:s6], $0xF7A  }
0x23: {  	s9 =	sor.u32 $0xD0000000, s2;
	s6 =	simm.s32 $0x108;
	_ =	swait.ge @!p0 [sflag:s8], $0x0  }
0x24: {  	s3 =	sadd.s32 $0x88, s3;
	s6 =	simm.s32 @!p1 $0x1082;
	[sflag:s4] =	ssyncset.s32 $0xFFFFF086  }
0x25: {  	[simem:s6], [sflag:s4] =	dma.local [hbm:s3], $0xF7A  }
0x26: {  	[smem:$0x3F9D] =	sst s1;
	(tag) =	ssettag s2;
	_ =	strace s9  }
0x27: {  	s1 =	sld [smem:$0x3FAD]  }
0x28: {  	s2 =	sld [smem:$0x3FAE]  }
0x29: {  	s4 =	sld [smem:$0x3FB0]  }
0x2a: {  	p0 =	seq.s32 s5, $0x0;
	s5 =	sld [smem:$0x3FB1]  }
0x2b: {  	s6 =	sld [smem:$0x3FB2]  }
0x2c: {  	s7 =	sld [smem:$0x3FB3]  }
0x2d: {  	s3 =	simm.s32 $0x108;
	s8 =	sld [smem:$0x3FB4]  }
0x2e: {  	s3 =	simm.s32 @!p0 $0x1082;
	s9 =	sld [smem:$0x3FB5]  }
0x2f: {  	lr =	sadd.s32 s0, s3;
	s0 =	sld [smem:$0x3FAC]  }
0x30: {  	s3 =	sld [smem:$0x3FAF]  }
0x31: {  	[smem:$0x3FB8] =	sst s10  }
0x32: {  	s10 =	sld [smem:$0x3FB6];
	_ =	sdelay $0x3  }
0x33: {  	p0 =	seq.s32 s10, $0x1;
	s10 =	sld [smem:$0x3FB8];
	_ =	sdelay $0x3  }
0x34: {  	[smem:$0x3FB8] =	sst s10  }
0x35: {  	s10 =	sld [smem:$0x3FB7];
	_ =	sdelay $0x3  }
0x36: {  	p1 =	seq.s32 s10, $0x1;
	s10 =	sld [smem:$0x3FB8];
	_ =	sdelay $0x3  }
0x37: {  	[smem:$0x3FB8] =	sst s10  }
0x38: {  	s10 =	sld [smem:$0x3FB9]  }
0x39: {  	_ = 	snop;
	(pc) =	sbr.ind lr, $3  }
0x3a: {  	_ = 	snop  }
0x3b: {  	_ = 	snop  }
0x3c: {  	p2 =	seq.s32 s10, $0x1;
	s10 =	sld [smem:$0x3FB8]  }
0x3d: {  	_ =	shalt  }
0x3e: {  	_ =	shalt  }
0x3f: {  	_ =	shalt  }
0x40: {  	_ =	shalt  }
0x41: {  	_ =	shalt  }
0x42: {  	_ =	shalt  }
0x43: {  	_ =	shalt  }
0x44: {  	_ =	shalt  }
0x45: {  	_ =	shalt  }
0x46: {  	_ =	shalt  }
0x47: {  	_ =	shalt  }
0x48: {  	_ =	shalt  }
0x49: {  	_ =	shalt  }
0x4a: {  	_ =	shalt  }
0x4b: {  	_ =	shalt  }
0x4c: {  	_ =	shalt  }
0x4d: {  	_ =	shalt  }
0x4e: {  	_ =	shalt  }
0x4f: {  	_ =	shalt  }
0x50: {  	_ =	shalt  }
0x51: {  	_ =	shalt  }
0x52: {  	_ =	shalt  }
0x53: {  	_ =	shalt  }
0x54: {  	_ =	shalt  }
0x55: {  	_ =	shalt  }
0x56: {  	_ =	shalt  }
0x57: {  	_ =	shalt  }
0x58: {  	_ =	shalt  }
0x59: {  	_ =	shalt  }
0x5a: {  	_ =	shalt  }
0x5b: {  	_ =	shalt  }
0x5c: {  	_ =	shalt  }
0x5d: {  	_ =	shalt  }
0x5e: {  	_ =	shalt  }
0x5f: {  	_ =	shalt  }
0x60: {  	_ =	shalt  }
0x61: {  	_ =	shalt  }
0x62: {  	_ =	shalt  }
0x63: {  	_ =	shalt  }
0x64: {  	_ =	shalt  }
0x65: {  	_ =	shalt  }
0x66: {  	_ =	shalt  }
0x67: {  	_ =	shalt  }
0x68: {  	_ =	shalt  }
0x69: {  	_ =	shalt  }
0x6a: {  	_ =	shalt  }
0x6b: {  	_ =	shalt  }
0x6c: {  	_ =	shalt  }
0x6d: {  	_ =	shalt  }
0x6e: {  	_ =	shalt  }
0x6f: {  	_ =	shalt  }
0x70: {  	_ =	shalt  }
0x71: {  	_ =	shalt  }
0x72: {  	_ =	shalt  }
0x73: {  	_ =	shalt  }
0x74: {  	_ =	shalt  }
0x75: {  	_ =	shalt  }
0x76: {  	_ =	shalt  }
0x77: {  	_ =	shalt  }
0x78: {  	_ =	shalt  }
0x79: {  	_ =	shalt  }
0x7a: {  	_ =	shalt  }
0x7b: {  	_ =	shalt  }
0x7c: {  	_ =	shalt  }
0x7d: {  	_ =	shalt  }
0x7e: {  	_ =	shalt  }
0x7f: {  	_ =	shalt  }
0x80: {  	_ =	shalt  }
0x81: {  	_ =	shalt  }
0x82: {  	_ =	shalt  }
0x83: {  	_ =	shalt  }
0x84: {  	_ =	shalt  }
0x85: {  	_ =	shalt  }
0x86: {  	_ =	shalt  }
0x87: {  	_ =	shalt  }
.Lfunc_end0:
.L_simem_size_0:
called_computation_lowered:
.L_overlay_start_0:
0x88: {  	s2 =	sld [smem:$0x3FD9]  }
0x89: {  	s3 =	sld [smem:$0x3FFE];
	_ =	sdelay $0x1  }
0x8a: {  	s1 =	srdreg.scid  }
0x8b: {  	s0 =	sand.u32 $0x1, s1  }
0x8c: {  	s17 =	sshll.u32 s0, $0xA;
	s2 =	sadd.s32 s3, s2  }
0x8d: {  	s2 =	sadd.s32 s2, s17  }
0x8e: {  	[smem:$0x3FC4] =	sst s2  }
0x8f: {  	_ = 	snop  }
0x90: {  	s2 =	sld [smem:$0x3FC9]  }
0x91: {  	s18 =	sld [smem:$0x3FD0];
	(tm) =	ssettm $0x1  }
0x92: {  	s4 =	sld [smem:$0x3FFB];
	_ =	sdelay $0x3  }
0x93: {  	_ =	strace s4  }
0x94: {  	s4 =	sld [smem:$0x3FFC];
	_ =	sdelay $0x3  }
0x95: {  	_ =	strace s4  }
0x96: {  	s4 =	sld [smem:$0x3FFD];
	_ =	sdelay $0x3  }
0x97: {  	_ =	strace s4  }
0x98: {  	_ =	strace $0x8FFFFFFF  }
0x99: {  	s19 =	sld [smem:$0x3FDB];
	_ =	sdelay $0x1  }
0x9a: {  	s5 =	simm.s32 $_scs_section_size  }
0x9b: {  	s6 =	simm.s32 $_size__tile_overlayer_lowered;
	s7 =	simm.s32 $_tile_overlayer_lowered  }
0x9c: {  	s22 =	simm.s32 $0x1BFF;
	s21 =	sshll.u32 s7, $0x1;
	s4 =	sadd.s32 s5, s19  }
0x9d: {  	s8 =	simm.s32 $0x0;
	s20 =	sshll.u32 s6, $0x1;
	s6 =	sadd.s32 s21, s4  }
0x9e: {  	[timem:s8], [sflag:s22] =	dma.local [hbm:s6], s20  }
0x9f: {  	_ =	swait.ge [sflag:s22], s20  }
0xa0: {  	s5 =	ssub.s32 $0x0, s20;
	[sflag:s22] =	ssyncset.done $0x0  }
0xa1: {  	[sflag:s22] =	ssyncadd.s32 s5;
	_ =	sdelay $0x1  }
0xa2: {  	s23 =	simm.s32 $0x1B8B  }
0xa3: {  	_ =	swait.ge [sflag:s23], $0x1  }
0xa4: {  	[sflag:s23] =	ssyncset.done $0x0  }
0xa5: {  	s25 =	simm.s32 $0x1B8E;
	s24 =	sld [smem:$0x3FFE];
	[sflag:s23] =	ssyncadd.s32 $0xFFFFFFFF  }
0xa6: {  	s26 =	simm.s32 $execute0_lowered;
	[smem:$0x3FD2] =	sst s25  }
0xa7: {  	s6 =	sshll.u32 s26, $0x1;
	_ =	strace $0x80000046;
	[dreg:$0x1] =	wrdreg $0xFFFFFFFF  }
0xa8: {  	s28 =	simm.s32 $_size_execute0_lowered;
	s4 =	sadd.s32 s4, s6;
	[dreg:$0x0] =	wrdreg $0x0  }
0xa9: {  	s6 =	sshll.u32 s28, $0x1;
	[dreg:$0x2] =	wrdreg s4  }
0xaa: {  	[dreg:$0x3] =	wrdreg s6  }
0xab: {  	[dreg:$0x4] =	wrdreg $0xC0  }
0xac: {  	_ =	task [dreg:s8], $0x5FFFF  }
0xad: {  	[dreg:$0x1] =	wrdreg $0xFFFFFFFF  }
0xae: {  	[dreg:$0x0] =	wrdreg $0x60  }
0xaf: {  	[dreg:$0x2] =	wrdreg s2  }
0xb0: {  	[dreg:$0x3] =	wrdreg s24  }
0xb1: {  	[dreg:$0x4] =	wrdreg s18  }
0xb2: {  	[dreg:$0x5] =	wrdreg $0x9  }
0xb3: {  	_ =	task.clear_ibuf [dreg:s8], $0x6FFFF;
	_ =	strace $0x90000046  }
0xb4: {  	s29 =	simm.s32 $0x9;
	_ =	strace $0x80000048  }
0xb5: {  	_ =	swait.ge [sflag:s29], $0x1  }
0xb6: {  	[sflag:s29] =	ssyncadd.s32 $0xFFFFFFFF  }
0xb7: {  	_ =	strace $0x90000048  }
0xb8: {  	_ =	sfence  }
0xb9: {  	s30 =	sld [smem:$0x0];
	_ =	sdelay $0x2  }
0xba: {  	s31 =	sshll.u32 s1, $0xD;
	s1 =	sshrl.u32 s1, $0x2  }
0xbb: {  	s3 =	sand.u32 $0x4000, s31;
	s1 =	sadd.s32 s1, s30  }
0xbc: {  	s0 =	sor.u32 s3, s0;
	s1 =	sshll.u32 s1, $0x11  }
0xbd: {  	s0 =	sor.u32 s1, s0  }
0xbe: {  	s0 =	sadd.s32 $0x8F2B, s0  }
0xbf: {  	[sflag:s0] =	ssyncadd.remote.s32 $0x1  }
0xc0: {  	_ =	sfence.sel $0xFFFF  }
0xc1: {  	[dreg:$0x0] =	wrdreg $0xFFFFFFFF;
	(pc) =	sbr.abs _section_cstart, $3  }
0xc2: {  	[dreg:$0x1] =	wrdreg $0xFFFFFFFF  }
0xc3: {  	_ =	task.clear_ibuf [dreg:s8], $0x2FFFF;
	_ =	strace $0x9FFFFFFF  }
0xc4: {  	(tm) =	ssettm $0x7FFFFFFF  }
0xc5: {  	_ =	shalt  }
tec
execute0_lowered:
.L_overlay_start_1:
0x0: {  	(tag) =	ssettag $0x1  }
0x1: {  	s1 =	rddreg [dreg:$0x0]  }
0x2: {  	s0 =	rddreg [dreg:$0x1]  }
0x3: {  	s3 =	rddreg [dreg:$0x2];
	s2 =	simm.s32 $0x0;
	s4 =	srdreg.scid  }
0x4: {  	s23 =	stileid.u32;
	s5 =	simm.s32 $0x28;
	s31 =	simm.s32 $0x4  }
0x5: {  	[smem:$0x7FF] =	sst s2;
	s4 =	sand.u32 $0x1, s4;
	s0 =	sadd.s32 $0x400, s0  }
0x6: {  	p0 =	seq.s32 s23, $0x0;
	s7 =	sshll.u32 s23, $0x4;
	s9 =	sadd.s32 $0x300, s1  }
0x7: {  	s10 =	sadd.s32 $0x400, s1;
	s11 =	sadd.s32 $0x500, s1;
	s12 =	sadd.s32 $0x600, s1  }
0x8: {  	s13 =	sadd.s32 $0x700, s1;
	s14 =	sadd.s32 $0x800, s1;
	s15 =	sadd.s32 $0x900, s1  }
0x9: {  	s16 =	sadd.s32 $0xA00, s1;
	s17 =	sadd.s32 $0xB00, s1;
	s18 =	sadd.s32 $0xC00, s1  }
0xa: {  	s19 =	sadd.s32 $0xD00, s1;
	s21 =	sshll.u32 s23, $0x6;
	s20 =	sadd.s32 $0xE00, s1  }
0xb: {  	s26 =	sshll.u32 s23, $0xD;
	_ =	strace $0x80000047;
	s6 =	ssub.s32 $0x2, s4  }
0xc: {  	[dreg:$0x4] =	wrdreg s0;
	s8 =	sshll.u32 s4, $0x3;
	s5 =	simm.s32 @!p0 $0x27  }
0xd: {  	s22 =	sshll.u32 s4, $0x5;
	s3 =	sadd.s32 s26, s3;
	s28 =	sshll.u32 s4, $0xC  }
0xe: {  	s26 =	simm.s32 $0x0;
	s25 =	sshrl.u32 s6, $0x1;
	s22 =	sor.u32 s22, s21  }
0xf: {  	s21 =	sadd.s32 $0xF00, s1;
	s0 =	ssub.s32 s6, s25;
	s6 =	sor.u32 s8, s7  }
0x10: {  	s7 =	sadd.s32 $0x100, s1;
	s22 =	sor.u32 $0x1000, s22;
	s0 =	smax.u32 s0, $0x1  }
0x11: {  	v0 =	vlaneseq.u32;
	s29 =	sshrl.u32 s22, $0x2;
	[dreg:$0x5] =	wrdreg s0;
	s0 =	sadd.s32 s28, s3  }
0x12: {  	v1 =	vshrl.u32 v0, $0x3;
	s8 =	sadd.s32 $0x200, s1;
	s30 =	sadd.s32 $0x2780, s29;
	[dreg:$0x6] =	wrdreg s0  }
0x13: {  	vm0 =	vmmov $0xffff;
	v0 =	vand.u32 $0x7, v0;
	v1 =	vmul.u32 $0x8, v1;
	s3 =	simm.s32 $0x6;
	[dreg:$0x7] =	wrdreg s30;
	s0 =	simm.s32 $0x5  }
.LBB2_1:
0x14: {  	s4 =	rddreg [dreg:$0x4];
	s29 =	simm.s32 $0x7  }
0x15: {  	[tilespmem:s2], [sflag:$0x7] =	stream.linear.gather [hbm4b:s4+s2], $0x2780, $0x38;
	[tilespmem:$0x1CF00] =	vst v63  }
0x16: {  	_ =	swait.ge [sflag:s29], $0x2780  }
0x17: {  	[sflag:s29] =	ssyncset.done $0x0  }
0x18: {  	s30 =	simm.s32 $0x40;
	[sflag:s29] =	ssyncadd.s32 $0xFFFFD880  }
0x19: {  	v2 =	vld [tilespmem:s30+$0x30]  }
0x1a: {  	v3 =	vld [tilespmem:s30+$0xFFFFFFD0]  }
0x1b: {  	v4 =	vld [tilespmem:s30+$0xFFFFFFE0]  }
0x1c: {  	v5 =	vld [tilespmem:s30+$0xFFFFFFF0]  }
0x1d: {  	v6 =	vld [tilespmem:s30+$0x0]  }
0x1e: {  	v8 =	vld [tilespmem:s30+$0x10]  }
0x1f: {  	v9 =	vld [tilespmem:s30+$0x20]  }
0x20: {  	v10 =	vld [tilespmem:s30+$0xFFFFFFC0]  }
0x21: {  	v11 =	vld.idx.msk [tilespmem:v2+s2+$0x0], $0xffff  }
0x22: {  	v12 =	vld.idx.msk [tilespmem:v3+s2+$0x0], $0xffff  }
0x23: {  	v7 =	vld.idx.msk [tilespmem:v4+s2+$0x0], $0xffff  }
0x24: {  	v5 =	vld.idx.msk [tilespmem:v5+s2+$0x0], $0xffff  }
0x25: {  	v2 =	vld.idx.msk [tilespmem:v6+s2+$0x0], $0xffff  }
0x26: {  	s4 =	simm.s32 $0x27C0;
	v3 =	vld.idx.msk [tilespmem:v8+s2+$0x0], $0xffff  }
0x27: {  	v4 =	vld.idx.msk [tilespmem:v9+s2+$0x0], $0xffff;
	[tilespmem:s4+$0x30] =	vst v11  }
0x28: {  	s22 =	simm.s32 $0x0;
	s23 =	simm.s32 $0xC0;
	v6 =	vld.idx.msk [tilespmem:v10+s2+$0x0], $0xffff;
	[tilespmem:s4+$0xFFFFFFD0] =	vst v12  }
.LBB2_2:
0x29: {  	v8 =	vld [tilespmem:s23+$0x30];
	s22 =	sadd.s32 $0x8, s22;
	[tilespmem:s4+$0xFFFFFFE0] =	vst v7  }
0x2a: {  	v7 =	vld [tilespmem:s23+$0xFFFFFFD0];
	p0 =	slt.u32 s22, $0x268;
	[tilespmem:s4+$0xFFFFFFF0] =	vst v5  }
0x2b: {  	v5 =	vld [tilespmem:s23+$0xFFFFFFE0];
	[tilespmem:s4+$0x0] =	vst v2  }
0x2c: {  	v2 =	vld [tilespmem:s23+$0xFFFFFFF0];
	[tilespmem:s4+$0x10] =	vst v3  }
0x2d: {  	v3 =	vld [tilespmem:s23+$0x0];
	[tilespmem:s4+$0x20] =	vst v4  }
0x2e: {  	v4 =	vld [tilespmem:s23+$0x10];
	[tilespmem:s4+$0xFFFFFFC0] =	vst v6  }
0x2f: {  	v6 =	vld [tilespmem:s23+$0x20]  }
0x30: {  	v9 =	vld [tilespmem:s23+$0xFFFFFFC0]  }
0x31: {  	v8 =	vld.idx.msk [tilespmem:v8+s2+$0x0], $0xffff  }
0x32: {  	v10 =	vld.idx.msk [tilespmem:v7+s2+$0x0], $0xffff  }
0x33: {  	v7 =	vld.idx.msk [tilespmem:v5+s2+$0x0], $0xffff  }
.Ltmp0:
0x34: {  	v5 =	vld.idx.msk [tilespmem:v2+s2+$0x0], $0xffff;
	(pc) =	sbr.rel @p0 .LBB2_2-.Ltmp0, $4  }
0x35: {  	v2 =	vld.idx.msk [tilespmem:v3+s2+$0x0], $0xffff  }
0x36: {  	s4 =	sadd.s32 $0x80, s4;
	v3 =	vld.idx.msk [tilespmem:v4+s2+$0x0], $0xffff  }
0x37: {  	v4 =	vld.idx.msk [tilespmem:v6+s2+$0x0], $0xffff;
	[tilespmem:s4+$0x30] =	vst v8  }
0x38: {  	s23 =	sadd.s32 $0x80, s23;
	v6 =	vld.idx.msk [tilespmem:v9+s2+$0x0], $0xffff;
	[tilespmem:s4+$0xFFFFFFD0] =	vst v10  }
0x39: {  	[tilespmem:s4+$0xFFFFFFE0] =	vst v7  }
0x3a: {  	[tilespmem:s4+$0xFFFFFFF0] =	vst v5  }
0x3b: {  	[tilespmem:s4+$0x0] =	vst v2  }
0x3c: {  	[tilespmem:s4+$0x10] =	vst v3  }
0x3d: {  	[tilespmem:s4+$0x20] =	vst v4  }
0x3e: {  	[tilespmem:s4+$0xFFFFFFC0] =	vst v6  }
0x3f: {  	v2 =	vld [tilespmem:$0x2700];
	_ =	sdelay $0x7  }
0x40: {  	v2 =	vld.idx.msk [tilespmem:v2+s2+$0x0], $0xffff;
	_ =	sdelay $0x4  }
0x41: {  	[tilespmem:$0x4E80] =	vst v2  }
0x42: {  	v2 =	vld.msk [tilespmem:s6+$0x2780], $0xff;
	_ =	sdelay $0x4  }
0x43: {  	v3 =	vshll.u32 v2, $0x5  }
0x44: {  	v2 =	vand.u32 $0x7, v2;
	v3 =	vand.u32 $0xFFFFFF00, v3  }
0x45: {  	v2 =	vor.u32 v2, v3  }
0x46: {  	v2 =	vperm.xlane v2, v0;
	_ =	sdelay $0x1  }
0x47: {  	v2 =	vadd.s32 v1, v2;
	_ =	sdelay $0x3  }
0x48: {  	s29 =	simm.s32 $0x4F00  }
0x49: {  	[tilespmem:s29], [sflag:$0x1] =	stream.indirect_vreg.gather [hbm4b:s1+s2], $0x80, v2, vm0, $0xb8;
	[tilespmem:$0x1CF00] =	vst v63  }
0x4a: {  	s30 =	simm.s32 $0x5700  }
0x4b: {  	[tilespmem:s30], [sflag:$0x1] =	stream.indirect_vreg.gather [hbm4b:s7+s2], $0x80, v2, vm0, $0xb8;
	[tilespmem:$0x1CF00] =	vst v63  }
0x4c: {  	s22 =	simm.s32 $0x5F00  }
0x4d: {  	[tilespmem:s22], [sflag:$0x1] =	stream.indirect_vreg.gather [hbm4b:s8+s2], $0x80, v2, vm0, $0xb8;
	[tilespmem:$0x1CF00] =	vst v63  }
0x4e: {  	s23 =	simm.s32 $0x6700  }
0x4f: {  	[tilespmem:s23], [sflag:$0x1] =	stream.indirect_vreg.gather [hbm4b:s9+s2], $0x80, v2, vm0, $0xb8;
	[tilespmem:$0x1CF00] =	vst v63  }
0x50: {  	s24 =	simm.s32 $0x6F00  }
0x51: {  	[tilespmem:s24], [sflag:$0x1] =	stream.indirect_vreg.gather [hbm4b:s10+s2], $0x80, v2, vm0, $0xb8;
	[tilespmem:$0x1CF00] =	vst v63  }
0x52: {  	s25 =	simm.s32 $0x7700  }
0x53: {  	[tilespmem:s25], [sflag:$0x1] =	stream.indirect_vreg.gather [hbm4b:s11+s2], $0x80, v2, vm0, $0xb8;
	[tilespmem:$0x1CF00] =	vst v63  }
0x54: {  	s29 =	simm.s32 $0x7F00  }
0x55: {  	[tilespmem:s29], [sflag:$0x1] =	stream.indirect_vreg.gather [hbm4b:s12+s2], $0x80, v2, vm0, $0xb8;
	[tilespmem:$0x1CF00] =	vst v63  }
0x56: {  	s30 =	simm.s32 $0x8700  }
0x57: {  	[tilespmem:s30], [sflag:$0x1] =	stream.indirect_vreg.gather [hbm4b:s13+s2], $0x80, v2, vm0, $0xb8;
	[tilespmem:$0x1CF00] =	vst v63  }
0x58: {  	s22 =	simm.s32 $0x8F00  }
0x59: {  	[tilespmem:s22], [sflag:$0x1] =	stream.indirect_vreg.gather [hbm4b:s14+s2], $0x80, v2, vm0, $0xb8;
	[tilespmem:$0x1CF00] =	vst v63  }
0x5a: {  	s23 =	simm.s32 $0x9700  }
0x5b: {  	[tilespmem:s23], [sflag:$0x1] =	stream.indirect_vreg.gather [hbm4b:s15+s2], $0x80, v2, vm0, $0xb8;
	[tilespmem:$0x1CF00] =	vst v63  }
0x5c: {  	s24 =	simm.s32 $0x9F00  }
0x5d: {  	[tilespmem:s24], [sflag:$0x1] =	stream.indirect_vreg.gather [hbm4b:s16+s2], $0x80, v2, vm0, $0xb8;
	[tilespmem:$0x1CF00] =	vst v63  }
0x5e: {  	s25 =	simm.s32 $0xA700  }
0x5f: {  	[tilespmem:s25], [sflag:$0x1] =	stream.indirect_vreg.gather [hbm4b:s17+s2], $0x80, v2, vm0, $0xb8;
	[tilespmem:$0x1CF00] =	vst v63  }
0x60: {  	s29 =	simm.s32 $0xAF00  }
0x61: {  	[tilespmem:s29], [sflag:$0x1] =	stream.indirect_vreg.gather [hbm4b:s18+s2], $0x80, v2, vm0, $0xb8;
	[tilespmem:$0x1CF00] =	vst v63  }
0x62: {  	s30 =	simm.s32 $0xB700  }
0x63: {  	[tilespmem:s30], [sflag:$0x1] =	stream.indirect_vreg.gather [hbm4b:s19+s2], $0x80, v2, vm0, $0xb8;
	[tilespmem:$0x1CF00] =	vst v63  }
0x64: {  	s22 =	simm.s32 $0xBF00  }
0x65: {  	[tilespmem:s22], [sflag:$0x1] =	stream.indirect_vreg.gather [hbm4b:s20+s2], $0x80, v2, vm0, $0xb8;
	[tilespmem:$0x1CF00] =	vst v63  }
0x66: {  	s23 =	simm.s32 $0xC700  }
0x67: {  	[tilespmem:s23], [sflag:$0x1] =	stream.indirect_vreg.gather [hbm4b:s21+s2], $0x80, v2, vm0, $0xb8;
	[tilespmem:$0x1CF00] =	vst v63  }
0x68: {  	v2 =	vld.msk [tilespmem:s6+$0x2880], $0xff;
	_ =	sdelay $0x4  }
0x69: {  	v3 =	vshll.u32 v2, $0x5  }
0x6a: {  	v2 =	vand.u32 $0x7, v2;
	v3 =	vand.u32 $0xFFFFFF00, v3  }
0x6b: {  	v2 =	vor.u32 v2, v3  }
0x6c: {  	v2 =	vperm.xlane v2, v0;
	_ =	sdelay $0x1  }
0x6d: {  	v2 =	vadd.s32 v1, v2;
	_ =	sdelay $0x3  }
0x6e: {  	s24 =	simm.s32 $0xCF00  }
0x6f: {  	[tilespmem:s24], [sflag:$0x2] =	stream.indirect_vreg.gather [hbm4b:s1+s2], $0x80, v2, vm0, $0xb8;
	[tilespmem:$0x1CF00] =	vst v63  }
0x70: {  	s25 =	simm.s32 $0xD700  }
0x71: {  	[tilespmem:s25], [sflag:$0x2] =	stream.indirect_vreg.gather [hbm4b:s7+s2], $0x80, v2, vm0, $0xb8;
	[tilespmem:$0x1CF00] =	vst v63  }
0x72: {  	s29 =	simm.s32 $0xDF00  }
0x73: {  	[tilespmem:s29], [sflag:$0x2] =	stream.indirect_vreg.gather [hbm4b:s8+s2], $0x80, v2, vm0, $0xb8;
	[tilespmem:$0x1CF00] =	vst v63  }
0x74: {  	s30 =	simm.s32 $0xE700  }
0x75: {  	[tilespmem:s30], [sflag:$0x2] =	stream.indirect_vreg.gather [hbm4b:s9+s2], $0x80, v2, vm0, $0xb8;
	[tilespmem:$0x1CF00] =	vst v63  }
0x76: {  	s22 =	simm.s32 $0xEF00  }
0x77: {  	[tilespmem:s22], [sflag:$0x2] =	stream.indirect_vreg.gather [hbm4b:s10+s2], $0x80, v2, vm0, $0xb8;
	[tilespmem:$0x1CF00] =	vst v63  }
0x78: {  	s23 =	simm.s32 $0xF700  }
0x79: {  	[tilespmem:s23], [sflag:$0x2] =	stream.indirect_vreg.gather [hbm4b:s11+s2], $0x80, v2, vm0, $0xb8;
	[tilespmem:$0x1CF00] =	vst v63  }
0x7a: {  	s24 =	simm.s32 $0xFF00  }
0x7b: {  	[tilespmem:s24], [sflag:$0x2] =	stream.indirect_vreg.gather [hbm4b:s12+s2], $0x80, v2, vm0, $0xb8;
	[tilespmem:$0x1CF00] =	vst v63  }
0x7c: {  	s25 =	simm.s32 $0x10700  }
0x7d: {  	[tilespmem:s25], [sflag:$0x2] =	stream.indirect_vreg.gather [hbm4b:s13+s2], $0x80, v2, vm0, $0xb8;
	[tilespmem:$0x1CF00] =	vst v63  }
0x7e: {  	s29 =	simm.s32 $0x10F00  }
0x7f: {  	[tilespmem:s29], [sflag:$0x2] =	stream.indirect_vreg.gather [hbm4b:s14+s2], $0x80, v2, vm0, $0xb8;
	[tilespmem:$0x1CF00] =	vst v63  }
0x80: {  	s30 =	simm.s32 $0x11700  }
0x81: {  	[tilespmem:s30], [sflag:$0x2] =	stream.indirect_vreg.gather [hbm4b:s15+s2], $0x80, v2, vm0, $0xb8;
	[tilespmem:$0x1CF00] =	vst v63  }
0x82: {  	s22 =	simm.s32 $0x11F00  }
0x83: {  	[tilespmem:s22], [sflag:$0x2] =	stream.indirect_vreg.gather [hbm4b:s16+s2], $0x80, v2, vm0, $0xb8;
	[tilespmem:$0x1CF00] =	vst v63  }
0x84: {  	s23 =	simm.s32 $0x12700  }
0x85: {  	[tilespmem:s23], [sflag:$0x2] =	stream.indirect_vreg.gather [hbm4b:s17+s2], $0x80, v2, vm0, $0xb8;
	[tilespmem:$0x1CF00] =	vst v63  }
0x86: {  	s24 =	simm.s32 $0x12F00  }
0x87: {  	[tilespmem:s24], [sflag:$0x2] =	stream.indirect_vreg.gather [hbm4b:s18+s2], $0x80, v2, vm0, $0xb8;
	[tilespmem:$0x1CF00] =	vst v63  }
0x88: {  	s25 =	simm.s32 $0x13700  }
0x89: {  	[tilespmem:s25], [sflag:$0x2] =	stream.indirect_vreg.gather [hbm4b:s19+s2], $0x80, v2, vm0, $0xb8;
	[tilespmem:$0x1CF00] =	vst v63  }
0x8a: {  	s29 =	simm.s32 $0x13F00;
	s23 =	rddreg [dreg:$0x6]  }
0x8b: {  	[tilespmem:s29], [sflag:$0x2] =	stream.indirect_vreg.gather [hbm4b:s20+s2], $0x80, v2, vm0, $0xb8;
	[tilespmem:$0x1CF00] =	vst v63  }
0x8c: {  	s28 =	simm.s32 $0x4;
	s30 =	simm.s32 $0x14700;
	s24 =	rddreg [dreg:$0x7]  }
0x8d: {  	[tilespmem:s30], [sflag:$0x2] =	stream.indirect_vreg.gather [hbm4b:s21+s2], $0x80, v2, vm0, $0xb8;
	[tilespmem:$0x1CF00] =	vst v63  }
.LBB2_4:
0x8e: {  	s4 =	sadd.s32 $0xFFFFFFFE, s28;
	p0 =	seq.s32 s28, $0x4  }
0x8f: {  	p1 =	sge.u32 @!p0 s4, s5  }
0x90: {  	p0 =	por p1, p0  }
0x91: {  	s22 =	simm.s32 @!p0 $0x6  }
0x92: {  	_ =	swait.ge @!p0 [sflag:s22], $0x8000  }
0x93: {  	[sflag:s22] =	ssyncset.done @!p0 $0x0  }
0x94: {  	[sflag:s22] =	ssyncadd.s32 @!p0 $0xFFFF8000;
	p0 =	sge.u32 s4, s5  }
0x95: {  	v2 =	vld.msk @!p0 [tilespmem:s24+$0xFFFFFE00], $0xff;
	_ =	sdelay $0x4  }
0x96: {  	v3 =	vshll.u32 @!p0 v2, $0x5  }
0x97: {  	v4 =	vlaneseq.u32 @!p0;
	v2 =	vand.u32 @!p0 $0x7, v2;
	v3 =	vand.u32 @!p0 $0xFFFFFF00, v3  }
0x98: {  	v2 =	vor.u32 @!p0 v2, v3;
	v3 =	vand.u32 @!p0 $0x7, v4;
	v4 =	vshrl.u32 @!p0 v4, $0x3  }
0x99: {  	v2 =	vperm.xlane @!p0 v2, v3;
	v3 =	vmul.u32 @!p0 $0x8, v4;
	_ =	sdelay $0x1  }
0x9a: {  	v2 =	vadd.s32 @!p0 v3, v2;
	_ =	sdelay $0x3  }
0x9b: {  	vm1 =	vmmov @!p0 $0xffff;
	s4 =	simm.s32 @!p0 $0x0;
	s22 =	simm.s32 @!p0 $0x14F00  }
0x9c: {  	[tilespmem:s22], [sflag:$0x3] =	stream.indirect_vreg.gather @!p0 [hbm4b:s1+s4], $0x80, v2, vm1, $0xb8;
	[tilespmem:$0x1CF00] =	vst v63  }
0x9d: {  	s30 =	simm.s32 @!p0 $0x15700  }
0x9e: {  	[tilespmem:s30], [sflag:$0x3] =	stream.indirect_vreg.gather @!p0 [hbm4b:s7+s4], $0x80, v2, vm1, $0xb8;
	[tilespmem:$0x1CF00] =	vst v63  }
0x9f: {  	s30 =	simm.s32 @!p0 $0x15F00  }
0xa0: {  	[tilespmem:s30], [sflag:$0x3] =	stream.indirect_vreg.gather @!p0 [hbm4b:s8+s4], $0x80, v2, vm1, $0xb8;
	[tilespmem:$0x1CF00] =	vst v63  }
0xa1: {  	s30 =	simm.s32 @!p0 $0x16700  }
0xa2: {  	[tilespmem:s30], [sflag:$0x3] =	stream.indirect_vreg.gather @!p0 [hbm4b:s9+s4], $0x80, v2, vm1, $0xb8;
	[tilespmem:$0x1CF00] =	vst v63  }
0xa3: {  	s30 =	simm.s32 @!p0 $0x16F00  }
0xa4: {  	[tilespmem:s30], [sflag:$0x3] =	stream.indirect_vreg.gather @!p0 [hbm4b:s10+s4], $0x80, v2, vm1, $0xb8;
	[tilespmem:$0x1CF00] =	vst v63  }
0xa5: {  	s30 =	simm.s32 @!p0 $0x17700  }
0xa6: {  	[tilespmem:s30], [sflag:$0x3] =	stream.indirect_vreg.gather @!p0 [hbm4b:s11+s4], $0x80, v2, vm1, $0xb8;
	[tilespmem:$0x1CF00] =	vst v63  }
0xa7: {  	s30 =	simm.s32 @!p0 $0x17F00  }
0xa8: {  	[tilespmem:s30], [sflag:$0x3] =	stream.indirect_vreg.gather @!p0 [hbm4b:s12+s4], $0x80, v2, vm1, $0xb8;
	[tilespmem:$0x1CF00] =	vst v63  }
0xa9: {  	s30 =	simm.s32 @!p0 $0x18700  }
0xaa: {  	[tilespmem:s30], [sflag:$0x3] =	stream.indirect_vreg.gather @!p0 [hbm4b:s13+s4], $0x80, v2, vm1, $0xb8;
	[tilespmem:$0x1CF00] =	vst v63  }
0xab: {  	s30 =	simm.s32 @!p0 $0x18F00  }
0xac: {  	[tilespmem:s30], [sflag:$0x3] =	stream.indirect_vreg.gather @!p0 [hbm4b:s14+s4], $0x80, v2, vm1, $0xb8;
	[tilespmem:$0x1CF00] =	vst v63  }
0xad: {  	s30 =	simm.s32 @!p0 $0x19700  }
0xae: {  	[tilespmem:s30], [sflag:$0x3] =	stream.indirect_vreg.gather @!p0 [hbm4b:s15+s4], $0x80, v2, vm1, $0xb8;
	[tilespmem:$0x1CF00] =	vst v63  }
0xaf: {  	s30 =	simm.s32 @!p0 $0x19F00  }
0xb0: {  	[tilespmem:s30], [sflag:$0x3] =	stream.indirect_vreg.gather @!p0 [hbm4b:s16+s4], $0x80, v2, vm1, $0xb8;
	[tilespmem:$0x1CF00] =	vst v63  }
0xb1: {  	s30 =	simm.s32 @!p0 $0x1A700  }
0xb2: {  	[tilespmem:s30], [sflag:$0x3] =	stream.indirect_vreg.gather @!p0 [hbm4b:s17+s4], $0x80, v2, vm1, $0xb8;
	[tilespmem:$0x1CF00] =	vst v63  }
0xb3: {  	s30 =	simm.s32 @!p0 $0x1AF00  }
0xb4: {  	[tilespmem:s30], [sflag:$0x3] =	stream.indirect_vreg.gather @!p0 [hbm4b:s18+s4], $0x80, v2, vm1, $0xb8;
	[tilespmem:$0x1CF00] =	vst v63  }
0xb5: {  	s30 =	simm.s32 @!p0 $0x1B700  }
0xb6: {  	[tilespmem:s30], [sflag:$0x3] =	stream.indirect_vreg.gather @!p0 [hbm4b:s19+s4], $0x80, v2, vm1, $0xb8;
	[tilespmem:$0x1CF00] =	vst v63  }
0xb7: {  	s25 =	sadd.s32 $0xFFFFFFFC, s28;
	s30 =	simm.s32 @!p0 $0x1BF00  }
0xb8: {  	[tilespmem:s30], [sflag:$0x3] =	stream.indirect_vreg.gather @!p0 [hbm4b:s20+s4], $0x80, v2, vm1, $0xb8;
	[tilespmem:$0x1CF00] =	vst v63  }
0xb9: {  	p1 =	sge.u32 s25, s5;
	s29 =	simm.s32 @!p0 $0x1C700  }
0xba: {  	[tilespmem:s29], [sflag:$0x3] =	stream.indirect_vreg.gather @!p0 [hbm4b:s21+s4], $0x80, v2, vm1, $0xb8;
	[tilespmem:$0x1CF00] =	vst v63  }
0xbb: {  	s29 =	simm.s32 @!p1 $0x1  }
0xbc: {  	_ =	swait.ge @!p1 [sflag:s29], $0x8000  }
0xbd: {  	[sflag:s29] =	ssyncset.done @!p1 $0x0  }
0xbe: {  	s30 =	simm.s32 @!p1 $0x4F00;
	[sflag:s29] =	ssyncadd.s32 @!p1 $0xFFFF8000;
	s29 =	simm.s32 @!p1 $0x0  }
0xbf: {  	[hbm4b:s23+s29] =	stream.linear.scatter @!p1 [tilespmem:s30], [sflag:$0x4], $0x8000, $0x38;
	[tilespmem:$0x1CF00] =	vst v63  }
0xc0: {  	s30 =	sadd.s32 $0xFFFFFFFF, s28  }
0xc1: {  	p1 =	sge.u32 s30, s5  }
0xc2: {  	s29 =	simm.s32 @!p1 $0x4  }
0xc3: {  	_ =	swait.ge @!p1 [sflag:s29], $0x8000  }
0xc4: {  	[sflag:s29] =	ssyncset.done @!p1 $0x0  }
0xc5: {  	[sflag:s29] =	ssyncadd.s32 @!p1 $0xFFFF8000  }
0xc6: {  	v2 =	vld.msk @!p1 [tilespmem:s24+$0xFFFFFF00], $0xff;
	_ =	sdelay $0x4  }
0xc7: {  	v3 =	vshll.u32 @!p1 v2, $0x5  }
0xc8: {  	v4 =	vlaneseq.u32 @!p1;
	v2 =	vand.u32 @!p1 $0x7, v2;
	v3 =	vand.u32 @!p1 $0xFFFFFF00, v3  }
0xc9: {  	v2 =	vor.u32 @!p1 v2, v3;
	v3 =	vand.u32 @!p1 $0x7, v4;
	v4 =	vshrl.u32 @!p1 v4, $0x3  }
0xca: {  	v2 =	vperm.xlane @!p1 v2, v3;
	v3 =	vmul.u32 @!p1 $0x8, v4;
	_ =	sdelay $0x1  }
0xcb: {  	v2 =	vadd.s32 @!p1 v3, v2;
	_ =	sdelay $0x3  }
0xcc: {  	vm1 =	vmmov @!p1 $0xffff;
	s30 =	simm.s32 @!p1 $0x4F00;
	s29 =	simm.s32 @!p1 $0x0  }
0xcd: {  	[tilespmem:s30], [sflag:$0x1] =	stream.indirect_vreg.gather @!p1 [hbm4b:s1+s29], $0x80, v2, vm1, $0xb8;
	[tilespmem:$0x1CF00] =	vst v63  }
0xce: {  	s30 =	simm.s32 @!p1 $0x5700  }
0xcf: {  	[tilespmem:s30], [sflag:$0x1] =	stream.indirect_vreg.gather @!p1 [hbm4b:s7+s29], $0x80, v2, vm1, $0xb8;
	[tilespmem:$0x1CF00] =	vst v63  }
0xd0: {  	s30 =	simm.s32 @!p1 $0x5F00  }
0xd1: {  	[tilespmem:s30], [sflag:$0x1] =	stream.indirect_vreg.gather @!p1 [hbm4b:s8+s29], $0x80, v2, vm1, $0xb8;
	[tilespmem:$0x1CF00] =	vst v63  }
0xd2: {  	s30 =	simm.s32 @!p1 $0x6700  }
0xd3: {  	[tilespmem:s30], [sflag:$0x1] =	stream.indirect_vreg.gather @!p1 [hbm4b:s9+s29], $0x80, v2, vm1, $0xb8;
	[tilespmem:$0x1CF00] =	vst v63  }
0xd4: {  	s30 =	simm.s32 @!p1 $0x6F00  }
0xd5: {  	[tilespmem:s30], [sflag:$0x1] =	stream.indirect_vreg.gather @!p1 [hbm4b:s10+s29], $0x80, v2, vm1, $0xb8;
	[tilespmem:$0x1CF00] =	vst v63  }
0xd6: {  	s30 =	simm.s32 @!p1 $0x7700  }
0xd7: {  	[tilespmem:s30], [sflag:$0x1] =	stream.indirect_vreg.gather @!p1 [hbm4b:s11+s29], $0x80, v2, vm1, $0xb8;
	[tilespmem:$0x1CF00] =	vst v63  }
0xd8: {  	s30 =	simm.s32 @!p1 $0x7F00  }
0xd9: {  	[tilespmem:s30], [sflag:$0x1] =	stream.indirect_vreg.gather @!p1 [hbm4b:s12+s29], $0x80, v2, vm1, $0xb8;
	[tilespmem:$0x1CF00] =	vst v63  }
0xda: {  	s30 =	simm.s32 @!p1 $0x8700  }
0xdb: {  	[tilespmem:s30], [sflag:$0x1] =	stream.indirect_vreg.gather @!p1 [hbm4b:s13+s29], $0x80, v2, vm1, $0xb8;
	[tilespmem:$0x1CF00] =	vst v63  }
0xdc: {  	s30 =	simm.s32 @!p1 $0x8F00  }
0xdd: {  	[tilespmem:s30], [sflag:$0x1] =	stream.indirect_vreg.gather @!p1 [hbm4b:s14+s29], $0x80, v2, vm1, $0xb8;
	[tilespmem:$0x1CF00] =	vst v63  }
0xde: {  	s30 =	simm.s32 @!p1 $0x9700  }
0xdf: {  	[tilespmem:s30], [sflag:$0x1] =	stream.indirect_vreg.gather @!p1 [hbm4b:s15+s29], $0x80, v2, vm1, $0xb8;
	[tilespmem:$0x1CF00] =	vst v63  }
0xe0: {  	s30 =	simm.s32 @!p1 $0x9F00  }
0xe1: {  	[tilespmem:s30], [sflag:$0x1] =	stream.indirect_vreg.gather @!p1 [hbm4b:s16+s29], $0x80, v2, vm1, $0xb8;
	[tilespmem:$0x1CF00] =	vst v63  }
0xe2: {  	s30 =	simm.s32 @!p1 $0xA700  }
0xe3: {  	[tilespmem:s30], [sflag:$0x1] =	stream.indirect_vreg.gather @!p1 [hbm4b:s17+s29], $0x80, v2, vm1, $0xb8;
	[tilespmem:$0x1CF00] =	vst v63  }
0xe4: {  	s30 =	simm.s32 @!p1 $0xAF00  }
0xe5: {  	[tilespmem:s30], [sflag:$0x1] =	stream.indirect_vreg.gather @!p1 [hbm4b:s18+s29], $0x80, v2, vm1, $0xb8;
	[tilespmem:$0x1CF00] =	vst v63  }
0xe6: {  	s30 =	simm.s32 @!p1 $0xB700  }
0xe7: {  	[tilespmem:s30], [sflag:$0x1] =	stream.indirect_vreg.gather @!p1 [hbm4b:s19+s29], $0x80, v2, vm1, $0xb8;
	[tilespmem:$0x1CF00] =	vst v63  }
0xe8: {  	s30 =	simm.s32 @!p1 $0xBF00  }
0xe9: {  	[tilespmem:s30], [sflag:$0x1] =	stream.indirect_vreg.gather @!p1 [hbm4b:s20+s29], $0x80, v2, vm1, $0xb8;
	[tilespmem:$0x1CF00] =	vst v63  }
0xea: {  	s25 =	simm.s32 @!p1 $0xC700;
	s30 =	sadd.s32 $0xFFFFFFFD, s28  }
0xeb: {  	[tilespmem:s25], [sflag:$0x1] =	stream.indirect_vreg.gather @!p1 [hbm4b:s21+s29], $0x80, v2, vm1, $0xb8;
	[tilespmem:$0x1CF00] =	vst v63  }
0xec: {  	p1 =	sge.u32 s30, s5  }
0xed: {  	s25 =	simm.s32 @!p1 $0x2  }
0xee: {  	_ =	swait.ge @!p1 [sflag:s25], $0x8000  }
0xef: {  	s29 =	simm.s32 @!p1 $0x0;
	[sflag:s25] =	ssyncset.done @!p1 $0x0  }
0xf0: {  	s30 =	simm.s32 @!p1 $0xCF00;
	[sflag:s25] =	ssyncadd.s32 @!p1 $0xFFFF8000;
	s25 =	sadd.s32 @!p1 $0x20000, s23  }
0xf1: {  	[hbm4b:s25+s29] =	stream.linear.scatter @!p1 [tilespmem:s30], [sflag:$0x5], $0x8000, $0x38;
	[tilespmem:$0x1CF00] =	vst v63  }
0xf2: {  	p1 =	sge.u32 s28, s5  }
0xf3: {  	s25 =	simm.s32 @!p1 $0x5  }
0xf4: {  	_ =	swait.ge @!p1 [sflag:s25], $0x8000  }
0xf5: {  	[sflag:s25] =	ssyncset.done @!p1 $0x0  }
0xf6: {  	[sflag:s25] =	ssyncadd.s32 @!p1 $0xFFFF8000  }
0xf7: {  	v2 =	vld.msk @!p1 [tilespmem:s24+$0x0], $0xff;
	_ =	sdelay $0x4  }
0xf8: {  	v3 =	vshll.u32 @!p1 v2, $0x5  }
0xf9: {  	v4 =	vlaneseq.u32 @!p1;
	v2 =	vand.u32 @!p1 $0x7, v2;
	v3 =	vand.u32 @!p1 $0xFFFFFF00, v3  }
0xfa: {  	v2 =	vor.u32 @!p1 v2, v3;
	v3 =	vand.u32 @!p1 $0x7, v4;
	v4 =	vshrl.u32 @!p1 v4, $0x3  }
0xfb: {  	v2 =	vperm.xlane @!p1 v2, v3;
	v3 =	vmul.u32 @!p1 $0x8, v4;
	_ =	sdelay $0x1  }
0xfc: {  	v2 =	vadd.s32 @!p1 v3, v2;
	_ =	sdelay $0x3  }
0xfd: {  	vm1 =	vmmov @!p1 $0xffff;
	s29 =	simm.s32 @!p1 $0xCF00;
	s25 =	simm.s32 @!p1 $0x0  }
0xfe: {  	[tilespmem:s29], [sflag:$0x2] =	stream.indirect_vreg.gather @!p1 [hbm4b:s1+s25], $0x80, v2, vm1, $0xb8;
	[tilespmem:$0x1CF00] =	vst v63  }
0xff: {  	s29 =	simm.s32 @!p1 $0xD700  }
0x100: {  	[tilespmem:s29], [sflag:$0x2] =	stream.indirect_vreg.gather @!p1 [hbm4b:s7+s25], $0x80, v2, vm1, $0xb8;
	[tilespmem:$0x1CF00] =	vst v63  }
0x101: {  	s29 =	simm.s32 @!p1 $0xDF00  }
0x102: {  	[tilespmem:s29], [sflag:$0x2] =	stream.indirect_vreg.gather @!p1 [hbm4b:s8+s25], $0x80, v2, vm1, $0xb8;
	[tilespmem:$0x1CF00] =	vst v63  }
0x103: {  	s29 =	simm.s32 @!p1 $0xE700  }
0x104: {  	[tilespmem:s29], [sflag:$0x2] =	stream.indirect_vreg.gather @!p1 [hbm4b:s9+s25], $0x80, v2, vm1, $0xb8;
	[tilespmem:$0x1CF00] =	vst v63  }
0x105: {  	s29 =	simm.s32 @!p1 $0xEF00  }
0x106: {  	[tilespmem:s29], [sflag:$0x2] =	stream.indirect_vreg.gather @!p1 [hbm4b:s10+s25], $0x80, v2, vm1, $0xb8;
	[tilespmem:$0x1CF00] =	vst v63  }
0x107: {  	s29 =	simm.s32 @!p1 $0xF700  }
0x108: {  	[tilespmem:s29], [sflag:$0x2] =	stream.indirect_vreg.gather @!p1 [hbm4b:s11+s25], $0x80, v2, vm1, $0xb8;
	[tilespmem:$0x1CF00] =	vst v63  }
0x109: {  	s29 =	simm.s32 @!p1 $0xFF00  }
0x10a: {  	[tilespmem:s29], [sflag:$0x2] =	stream.indirect_vreg.gather @!p1 [hbm4b:s12+s25], $0x80, v2, vm1, $0xb8;
	[tilespmem:$0x1CF00] =	vst v63  }
0x10b: {  	s29 =	simm.s32 @!p1 $0x10700  }
0x10c: {  	[tilespmem:s29], [sflag:$0x2] =	stream.indirect_vreg.gather @!p1 [hbm4b:s13+s25], $0x80, v2, vm1, $0xb8;
	[tilespmem:$0x1CF00] =	vst v63  }
0x10d: {  	s29 =	simm.s32 @!p1 $0x10F00  }
0x10e: {  	[tilespmem:s29], [sflag:$0x2] =	stream.indirect_vreg.gather @!p1 [hbm4b:s14+s25], $0x80, v2, vm1, $0xb8;
	[tilespmem:$0x1CF00] =	vst v63  }
0x10f: {  	s29 =	simm.s32 @!p1 $0x11700  }
0x110: {  	[tilespmem:s29], [sflag:$0x2] =	stream.indirect_vreg.gather @!p1 [hbm4b:s15+s25], $0x80, v2, vm1, $0xb8;
	[tilespmem:$0x1CF00] =	vst v63  }
0x111: {  	s29 =	simm.s32 @!p1 $0x11F00  }
0x112: {  	[tilespmem:s29], [sflag:$0x2] =	stream.indirect_vreg.gather @!p1 [hbm4b:s16+s25], $0x80, v2, vm1, $0xb8;
	[tilespmem:$0x1CF00] =	vst v63  }
0x113: {  	s29 =	simm.s32 @!p1 $0x12700  }
0x114: {  	[tilespmem:s29], [sflag:$0x2] =	stream.indirect_vreg.gather @!p1 [hbm4b:s17+s25], $0x80, v2, vm1, $0xb8;
	[tilespmem:$0x1CF00] =	vst v63  }
0x115: {  	s29 =	simm.s32 @!p1 $0x12F00  }
0x116: {  	[tilespmem:s29], [sflag:$0x2] =	stream.indirect_vreg.gather @!p1 [hbm4b:s18+s25], $0x80, v2, vm1, $0xb8;
	[tilespmem:$0x1CF00] =	vst v63  }
0x117: {  	s29 =	simm.s32 @!p1 $0x13700  }
0x118: {  	[tilespmem:s29], [sflag:$0x2] =	stream.indirect_vreg.gather @!p1 [hbm4b:s19+s25], $0x80, v2, vm1, $0xb8;
	[tilespmem:$0x1CF00] =	vst v63  }
0x119: {  	s29 =	simm.s32 @!p1 $0x13F00  }
0x11a: {  	[tilespmem:s29], [sflag:$0x2] =	stream.indirect_vreg.gather @!p1 [hbm4b:s20+s25], $0x80, v2, vm1, $0xb8;
	[tilespmem:$0x1CF00] =	vst v63  }
0x11b: {  	s29 =	simm.s32 @!p1 $0x14700  }
0x11c: {  	[tilespmem:s29], [sflag:$0x2] =	stream.indirect_vreg.gather @!p1 [hbm4b:s21+s25], $0x80, v2, vm1, $0xb8;
	[tilespmem:$0x1CF00] =	vst v63  }
0x11d: {  	s25 =	simm.s32 @!p0 $0x3  }
0x11e: {  	_ =	swait.ge @!p0 [sflag:s25], $0x8000  }
0x11f: {  	[sflag:s25] =	ssyncset.done @!p0 $0x0  }
0x120: {  	s28 =	sadd.s32 $0x3, s28;
	[sflag:s25] =	ssyncadd.s32 @!p0 $0xFFFF8000;
	s25 =	sadd.s32 @!p0 $0x40000, s23  }
0x121: {  	[hbm4b:s25+s4] =	stream.linear.scatter @!p0 [tilespmem:s22], [sflag:$0x6], $0x8000, $0x38;
	[tilespmem:$0x1CF00] =	vst v63  }
0x122: {  	p0 =	sne.s32 s28, $0x2E  }
.Ltmp1:
0x123: {  	_ = 	snop;
	(pc) =	sbr.rel @p0 .LBB2_4-.Ltmp1, $2  }
0x124: {  	_ =	sdelay $0x2  }
0x125: {  	s24 =	sadd.s32 $0x300, s24;
	s23 =	sadd.s32 $0x60000, s23  }
0x126: {  	_ =	swait.ge [sflag:s31], $0x8000  }
0x127: {  	[sflag:s31] =	ssyncset.done $0x0  }
0x128: {  	[sflag:s31] =	ssyncadd.s32 $0xFFFF8000  }
0x129: {  	_ =	swait.ge [sflag:s0], $0x8000  }
0x12a: {  	[sflag:s0] =	ssyncset.done $0x0  }
0x12b: {  	[sflag:s0] =	ssyncadd.s32 $0xFFFF8000  }
0x12c: {  	_ =	swait.ge [sflag:s3], $0x8000  }
0x12d: {  	s26 =	sadd.s32 $0x1, s26;
	s4 =	rddreg [dreg:$0x5]  }
0x12e: {  	p0 =	sne.s32 s26, s4  }
.Ltmp2:
0x12f: {  	_ = 	snop;
	(pc) =	sbr.rel @p0 .LBB2_1-.Ltmp2, $3  }
0x130: {  	_ =	sdelay $0x1  }
0x131: {  	[sflag:s3] =	ssyncset.done $0x0  }
0x132: {  	[sflag:s3] =	ssyncadd.s32 $0xFFFF8000  }
0x133: {  	_ =	sfence.sel $0x180000  }
0x134: {  	[bflag:$0x0] =	sbarrier.arrive $0xFFFF  }
0x135: {  	_ =	strace $0x90000047  }
0x136: {  	s0 =	stileid.u32;
	[bflag:$0x2] =	sbarrier.arrive $0xFFFF  }
0x137: {  	p0 =	sne.s32 s0, $0x0;
	s0 =	rddreg [dreg:$0x3]  }
0x138: {  	s0 =	sadd.s32 @!p0 $0x100000, s0  }
0x139: {  	[sflag:s0] =	ssyncadd.tile.s32 @!p0 $0x1;
	_ =	shalt  }
.Lfunc_end2:
_tile_overlayer_lowered:
.L_overlay_start_2:
0x13a: {  	(tag) =	ssettag $0x2  }
0x13b: {  	s0 =	rddreg [dreg:$0x0];
	s2 =	stileid.u32  }
0x13c: {  	s1 =	rddreg [dreg:$0x1];
	p0 =	sne.s32 s2, $0x0  }
0x13d: {  	s3 =	rddreg [dreg:$0x2];
	[bflag:$0x3] =	sbarrier.arrive $0xFFFF;
	s2 =	simm.s32 @!p0 $0x1C07  }
0x13e: {  	[timem:s3], [sflag:s2] =	dma.local @!p0 [hbm:s0], s1  }
0x13f: {  	s0 =	simm.s32 @!p0 $0x7  }
0x140: {  	_ =	swait.ge @!p0 [sflag:s0], s1  }
0x141: {  	s1 =	ssub.s32 @!p0 $0x0, s1;
	[sflag:s0] =	ssyncset.done @!p0 $0x0  }
0x142: {  	[sflag:s0] =	ssyncadd.s32 @!p0 s1  }
0x143: {  	[bflag:$0x3] =	sbarrier.arrive $0xFFFF  }
0x144: {  	_ =	shalt  }

</sc_bundles>
